<compile_context>
chip_gen: v7x
topology: tpu7x:2x2x1
jax: 0.10.2.dev20260603
libtpu: 0.0.44.dev20260713+nightly
codegen_flags: <defaults>
</compile_context>

<pallas_src>
import functools

import jax
import jax.numpy as jnp
from jax import lax
from jax.experimental import pallas as pl
from jax.experimental.pallas import tpu as pltpu
from jax.experimental.pallas import tpu_sc as plsc

_PD = 128
_DL = 2048



def _sc_gather(idsf, ent_table, rel_table):
    B = idsf.shape[0] // 3
    info = plsc.get_sparse_core_info()
    nc, ns = info.num_cores, info.num_subcores
    nw = nc * ns
    nb = B // nw

    mesh = plsc.VectorSubcoreMesh(core_axis_name="c", subcore_axis_name="s")

    @functools.partial(
        pl.kernel,
        mesh=mesh,
        out_type=jax.ShapeDtypeStruct((3, B, _PD), jnp.float32),
        scratch_types=[
            pltpu.VMEM((nb,), jnp.int32),
            pltpu.VMEM((nb,), jnp.int32),
            pltpu.VMEM((nb,), jnp.int32),
            pltpu.VMEM((nb, _PD), jnp.float32),
            pltpu.VMEM((nb, _PD), jnp.float32),
            pltpu.VMEM((nb, _PD), jnp.float32),
            pltpu.SemaphoreType.DMA,
            pltpu.SemaphoreType.DMA,
            pltpu.SemaphoreType.DMA,
            pltpu.SemaphoreType.DMA,
            pltpu.SemaphoreType.DMA,
            pltpu.SemaphoreType.DMA,
            pltpu.SemaphoreType.DMA,
            pltpu.SemaphoreType.DMA,
            pltpu.SemaphoreType.DMA,
        ],
    )
    def gather_kernel(idsf_hbm, ent_hbm, rel_hbm, x_hbm,
                      hid_v, rid_v, tid_v, bufh, bufr, buft,
                      sih, sir, sit, sgh, sgr, sgt, swh, swr, swt):
        wid = lax.axis_index("s") * nc + lax.axis_index("c")
        b0 = wid * nb
        cih = pltpu.async_copy(idsf_hbm.at[pl.ds(b0, nb)], hid_v, sih)
        cir = pltpu.async_copy(idsf_hbm.at[pl.ds(B + b0, nb)], rid_v, sir)
        cit = pltpu.async_copy(idsf_hbm.at[pl.ds(2 * B + b0, nb)], tid_v, sit)
        cih.wait()
        ch = pltpu.async_copy(ent_hbm.at[hid_v], bufh, sgh)
        cir.wait()
        cr = pltpu.async_copy(rel_hbm.at[rid_v], bufr, sgr)
        cit.wait()
        ct = pltpu.async_copy(ent_hbm.at[tid_v], buft, sgt)
        ch.wait()
        wh = pltpu.async_copy(bufh, x_hbm.at[0, pl.ds(b0, nb)], swh)
        cr.wait()
        wr = pltpu.async_copy(bufr, x_hbm.at[1, pl.ds(b0, nb)], swr)
        ct.wait()
        wt = pltpu.async_copy(buft, x_hbm.at[2, pl.ds(b0, nb)], swt)
        wh.wait()
        wr.wait()
        wt.wait()

    return gather_kernel(idsf, ent_table, rel_table)



def _tc_project(xb, W, bias):
    B = xb.shape[1]
    TB = 256
    grid = (B // TB,)

    def mm_kernel(x_ref, w_ref, b_ref, o_ref):
        w = w_ref[...]
        bv = b_ref[...]
        for j in range(3):
            y = lax.dot_general(
                x_ref[j], w,
                (((1,), (1,)), ((), ())),
                preferred_element_type=jnp.float32,
            )
            o_ref[:, j, :] = y + bv

    return pl.pallas_call(
        mm_kernel,
        grid=grid,
        in_specs=[
            pl.BlockSpec((3, TB, _PD), lambda i: (0, i, 0)),
            pl.BlockSpec((_DL, _PD), lambda i: (0, 0)),
            pl.BlockSpec((1, _DL), lambda i: (0, 0)),
        ],
        out_specs=pl.BlockSpec((TB, 3, _DL), lambda i: (i, 0, 0)),
        out_shape=jax.ShapeDtypeStruct((B, 3, _DL), jnp.float32),
    )(xb, W, bias)


def kernel(ids, ent_table, rel_table, W, b):
    B = ids.shape[0]
    idsf = ids.T.reshape(3 * B)
    xb = _sc_gather(idsf, ent_table, rel_table)
    return _tc_project(xb, W, b.reshape(1, _DL))

# --- scband reference (transcript-rebuilt; emitter-appended) ---
"""Pipeline reference for scband-pretrain-kgembedding-23390391894486 (READ-ONLY COPY).

The authoritative reference and input builder live on the scoring server;
editing this copy changes nothing except your own understanding.
"""

import jax, jax.numpy as jnp
import numpy as np

NUM_ENT = 100000
NUM_REL = 1000
PRETRAIN_DIM = 128
DIM_LLM = 2048
NUM_PREFIX = 1
EMB_DIM = NUM_PREFIX * DIM_LLM
B = 4096


def setup_inputs(seed: int = 0) -> dict:
    key = jax.random.key(seed)
    k1, k2, k3, k4 = jax.random.split(key, 4)
    # ids in [0, NUM_REL) so head/rel/tail are all in-range (NUM_REL <= NUM_ENT)
    ids = jax.random.randint(k1, (B, 3), 0, NUM_REL, dtype=jnp.int32)
    ent_table = jax.random.normal(k2, (NUM_ENT, PRETRAIN_DIM), dtype=jnp.float32)
    ent_table = ent_table.at[0].set(0.0)  # padding_idx=0 zeroed
    rel_table = jax.random.normal(k3, (NUM_REL, PRETRAIN_DIM), dtype=jnp.float32)
    rel_table = rel_table.at[0].set(0.0)  # padding_idx=0 zeroed
    # token_translator: Linear(PRETRAIN_DIM -> EMB_DIM), xavier_uniform weight, zero bias
    limit = float(np.sqrt(6.0 / (PRETRAIN_DIM + EMB_DIM)))
    W = jax.random.uniform(k4, (EMB_DIM, PRETRAIN_DIM), minval=-limit, maxval=limit, dtype=jnp.float32)
    b = jnp.zeros((EMB_DIM,), dtype=jnp.float32)
    return {"ids": ids, "ent_table": ent_table, "rel_table": rel_table, "W": W, "b": b}


def reference(ids, ent_table, rel_table, W, b):
    # ids: [B, 3] -> (h, r, t) path of PretrainKGEmbedding.forward
    Bb = ids.shape[0]
    h = jnp.take(ent_table, ids[:, 0], axis=0)
    r = jnp.take(rel_table, ids[:, 1], axis=0)
    t = jnp.take(ent_table, ids[:, 2], axis=0)
    h = h @ W.T + b
    r = r @ W.T + b
    t = t @ W.T + b
    h = h.reshape(Bb, NUM_PREFIX, DIM_LLM)
    r = r.reshape(Bb, NUM_PREFIX, DIM_LLM)
    t = t.reshape(Bb, NUM_PREFIX, DIM_LLM)
    embs = jnp.stack((h, r, t), axis=1)  # [B, 3, num_prefix, llm_dim]
    return embs.reshape(Bb, 3 * NUM_PREFIX, DIM_LLM)

if __name__ == "__main__":
    import jax
    _d = setup_inputs()
    print(jax.jit(kernel)(*tuple(_d.values())))

</pallas_src>

<mosaic_0001>
#map = affine_map<(d0, d1) -> (0)>
#map1 = affine_map<(d0, d1) -> (0, 0)>
#map2 = affine_map<(d0, d1) -> (0, 0, 0)>
module attributes {stable_mosaic.version = 14 : i64} {
  func.func @gather_kernel(%arg0: i32, %arg1: i32, %arg2: memref<12288xi32, #tpu.memory_space<hbm>>, %arg3: memref<100000x128xf32, #tpu.memory_space<hbm>>, %arg4: memref<1000x128xf32, #tpu.memory_space<hbm>>, %arg5: memref<3x4096x128xf32, #tpu.memory_space<hbm>>, %arg6: memref<128xi32, #tpu.memory_space<vmem>>, %arg7: memref<128xi32, #tpu.memory_space<vmem>>, %arg8: memref<128xi32, #tpu.memory_space<vmem>>, %arg9: memref<128x128xf32, #tpu.memory_space<vmem>>, %arg10: memref<128x128xf32, #tpu.memory_space<vmem>>, %arg11: memref<128x128xf32, #tpu.memory_space<vmem>>, %arg12: memref<!tpu.dma_semaphore, #tpu.memory_space<semaphore_mem>>, %arg13: memref<!tpu.dma_semaphore, #tpu.memory_space<semaphore_mem>>, %arg14: memref<!tpu.dma_semaphore, #tpu.memory_space<semaphore_mem>>, %arg15: memref<!tpu.dma_semaphore, #tpu.memory_space<semaphore_mem>>, %arg16: memref<!tpu.dma_semaphore, #tpu.memory_space<semaphore_mem>>, %arg17: memref<!tpu.dma_semaphore, #tpu.memory_space<semaphore_mem>>, %arg18: memref<!tpu.dma_semaphore, #tpu.memory_space<semaphore_mem>>, %arg19: memref<!tpu.dma_semaphore, #tpu.memory_space<semaphore_mem>>, %arg20: memref<!tpu.dma_semaphore, #tpu.memory_space<semaphore_mem>>) attributes {dimension_semantics = [#tpu.dimension_semantics<core_parallel>, #tpu.dimension_semantics<subcore_parallel>], iteration_bounds = array<i64: 2, 16>, scalar_prefetch = 0 : i64, scratch_operands = 15 : i64, tpu.core_type = #tpu.core_type<sc_vector_subcore>, window_params = [{transform_indices = #map}, {transform_indices = #map1}, {transform_indices = #map1}, {transform_indices = #map2}]} {
    %mul3A = arith.constant 2 : i32
    %mul3A_0 = arith.muli %arg1, %mul3A : i32
    %add3A = arith.addi %mul3A_0, %arg0 : i32
    %mul3A_1 = arith.constant 128 : i32
    %mul3A_2 = arith.muli %add3A, %mul3A_1 : i32
    %dma_start3A = tpu.memref_slice %arg2[%mul3A_2] : memref<12288xi32, #tpu.memory_space<hbm>> -> memref<128xi32, #tpu.memory_space<hbm>>
    %dma_start3A_3 = tpu.memref_slice %arg2[%mul3A_2] : memref<12288xi32, #tpu.memory_space<hbm>> -> memref<128xi32, #tpu.memory_space<hbm>>
    tpu.enqueue_dma source(%dma_start3A_3 : memref<128xi32, #tpu.memory_space<hbm>>) target(%arg6 : memref<128xi32, #tpu.memory_space<vmem>>) target_semaphore(%arg12 : memref<!tpu.dma_semaphore, #tpu.memory_space<semaphore_mem>>)
    %add3A_4 = arith.constant 4096 : i32
    %add3A_5 = arith.addi %add3A_4, %mul3A_2 : i32
    %dma_start3A_6 = tpu.memref_slice %arg2[%add3A_5] : memref<12288xi32, #tpu.memory_space<hbm>> -> memref<128xi32, #tpu.memory_space<hbm>>
    %dma_start3A_7 = tpu.memref_slice %arg2[%add3A_5] : memref<12288xi32, #tpu.memory_space<hbm>> -> memref<128xi32, #tpu.memory_space<hbm>>
    tpu.enqueue_dma source(%dma_start3A_7 : memref<128xi32, #tpu.memory_space<hbm>>) target(%arg7 : memref<128xi32, #tpu.memory_space<vmem>>) target_semaphore(%arg13 : memref<!tpu.dma_semaphore, #tpu.memory_space<semaphore_mem>>)
    %add3A_8 = arith.constant 8192 : i32
    %add3A_9 = arith.addi %add3A_8, %mul3A_2 : i32
    %dma_start3A_10 = tpu.memref_slice %arg2[%add3A_9] : memref<12288xi32, #tpu.memory_space<hbm>> -> memref<128xi32, #tpu.memory_space<hbm>>
    %dma_start3A_11 = tpu.memref_slice %arg2[%add3A_9] : memref<12288xi32, #tpu.memory_space<hbm>> -> memref<128xi32, #tpu.memory_space<hbm>>
    tpu.enqueue_dma source(%dma_start3A_11 : memref<128xi32, #tpu.memory_space<hbm>>) target(%arg8 : memref<128xi32, #tpu.memory_space<vmem>>) target_semaphore(%arg14 : memref<!tpu.dma_semaphore, #tpu.memory_space<semaphore_mem>>)
    %dma_wait3A = tpu.memref_slice %arg2[%mul3A_2] : memref<12288xi32, #tpu.memory_space<hbm>> -> memref<128xi32, #tpu.memory_space<hbm>>
    %dma_wait3A_12 = tpu.memref_slice %arg2[%mul3A_2] : memref<12288xi32, #tpu.memory_space<hbm>> -> memref<128xi32, #tpu.memory_space<hbm>>
    tpu.wait_dma2 semaphore(%arg12 : memref<!tpu.dma_semaphore, #tpu.memory_space<semaphore_mem>>) src(%dma_wait3A_12 : memref<128xi32, #tpu.memory_space<hbm>>) dst(%arg6 : memref<128xi32, #tpu.memory_space<vmem>>)
    %dma_start3A_13 = arith.constant 0 : i32
    %dma_start3A_14 = arith.constant 0 : i32
    %dma_start3A_15 = tpu.memref_slice %arg3[%dma_start3A_13, %dma_start3A_14] : memref<100000x128xf32, #tpu.memory_space<hbm>> -> memref<100000x128xf32, #tpu.memory_space<hbm>>
    tpu.enqueue_indirect_dma source(%dma_start3A_15 : memref<100000x128xf32, #tpu.memory_space<hbm>>) target(%arg9 : memref<128x128xf32, #tpu.memory_space<vmem>>) offsets(%arg6 : memref<128xi32, #tpu.memory_space<vmem>>) semaphore(%arg15 : memref<!tpu.dma_semaphore, #tpu.memory_space<semaphore_mem>>)
    %dma_wait3A_16 = tpu.memref_slice %arg2[%add3A_5] : memref<12288xi32, #tpu.memory_space<hbm>> -> memref<128xi32, #tpu.memory_space<hbm>>
    %dma_wait3A_17 = tpu.memref_slice %arg2[%add3A_5] : memref<12288xi32, #tpu.memory_space<hbm>> -> memref<128xi32, #tpu.memory_space<hbm>>
    tpu.wait_dma2 semaphore(%arg13 : memref<!tpu.dma_semaphore, #tpu.memory_space<semaphore_mem>>) src(%dma_wait3A_17 : memref<128xi32, #tpu.memory_space<hbm>>) dst(%arg7 : memref<128xi32, #tpu.memory_space<vmem>>)
    %dma_start3A_18 = arith.constant 0 : i32
    %dma_start3A_19 = arith.constant 0 : i32
    %dma_start3A_20 = tpu.memref_slice %arg4[%dma_start3A_18, %dma_start3A_19] : memref<1000x128xf32, #tpu.memory_space<hbm>> -> memref<1000x128xf32, #tpu.memory_space<hbm>>
    tpu.enqueue_indirect_dma source(%dma_start3A_20 : memref<1000x128xf32, #tpu.memory_space<hbm>>) target(%arg10 : memref<128x128xf32, #tpu.memory_space<vmem>>) offsets(%arg7 : memref<128xi32, #tpu.memory_space<vmem>>) semaphore(%arg16 : memref<!tpu.dma_semaphore, #tpu.memory_space<semaphore_mem>>)
    %dma_wait3A_21 = tpu.memref_slice %arg2[%add3A_9] : memref<12288xi32, #tpu.memory_space<hbm>> -> memref<128xi32, #tpu.memory_space<hbm>>
    %dma_wait3A_22 = tpu.memref_slice %arg2[%add3A_9] : memref<12288xi32, #tpu.memory_space<hbm>> -> memref<128xi32, #tpu.memory_space<hbm>>
    tpu.wait_dma2 semaphore(%arg14 : memref<!tpu.dma_semaphore, #tpu.memory_space<semaphore_mem>>) src(%dma_wait3A_22 : memref<128xi32, #tpu.memory_space<hbm>>) dst(%arg8 : memref<128xi32, #tpu.memory_space<vmem>>)
    %dma_start3A_23 = arith.constant 0 : i32
    %dma_start3A_24 = arith.constant 0 : i32
    %dma_start3A_25 = tpu.memref_slice %arg3[%dma_start3A_23, %dma_start3A_24] : memref<100000x128xf32, #tpu.memory_space<hbm>> -> memref<100000x128xf32, #tpu.memory_space<hbm>>
    tpu.enqueue_indirect_dma source(%dma_start3A_25 : memref<100000x128xf32, #tpu.memory_space<hbm>>) target(%arg11 : memref<128x128xf32, #tpu.memory_space<vmem>>) offsets(%arg8 : memref<128xi32, #tpu.memory_space<vmem>>) semaphore(%arg17 : memref<!tpu.dma_semaphore, #tpu.memory_space<semaphore_mem>>)
    %dma_wait3A_26 = arith.constant 0 : i32
    %dma_wait3A_27 = arith.constant 0 : i32
    %dma_wait3A_28 = tpu.memref_slice %arg3[%dma_wait3A_26, %dma_wait3A_27] : memref<100000x128xf32, #tpu.memory_space<hbm>> -> memref<100000x128xf32, #tpu.memory_space<hbm>>
    tpu.wait_indirect_dma semaphore(%arg15 : memref<!tpu.dma_semaphore, #tpu.memory_space<semaphore_mem>>) src(%dma_wait3A_28 : memref<100000x128xf32, #tpu.memory_space<hbm>>) dst(%arg9 : memref<128x128xf32, #tpu.memory_space<vmem>>)
    %dma_start3A_29 = arith.constant 0 : i32
    %dma_start3A_30 = arith.constant 0 : i32
    %dma_start3A_31 = tpu.memref_slice %arg5[%dma_start3A_29, %mul3A_2, %dma_start3A_30] : memref<3x4096x128xf32, #tpu.memory_space<hbm>> -> memref<1x128x128xf32, #tpu.memory_space<hbm>>
    %dma_start3A_32 = tpu.memref_squeeze %dma_start3A_31 : memref<1x128x128xf32, #tpu.memory_space<hbm>> -> memref<128x128xf32, #tpu.memory_space<hbm>>
    %dma_start3A_33 = arith.constant 0 : i32
    %dma_start3A_34 = tpu.memref_slice %arg5[%dma_start3A_29, %mul3A_2, %dma_start3A_33] : memref<3x4096x128xf32, #tpu.memory_space<hbm>> -> memref<1x128x128xf32, #tpu.memory_space<hbm>>
    %dma_start3A_35 = tpu.memref_squeeze %dma_start3A_34 : memref<1x128x128xf32, #tpu.memory_space<hbm>> -> memref<128x128xf32, #tpu.memory_space<hbm>>
    tpu.enqueue_dma source(%arg9 : memref<128x128xf32, #tpu.memory_space<vmem>>) target(%dma_start3A_35 : memref<128x128xf32, #tpu.memory_space<hbm>>) target_semaphore(%arg18 : memref<!tpu.dma_semaphore, #tpu.memory_space<semaphore_mem>>)
    %dma_wait3A_36 = arith.constant 0 : i32
    %dma_wait3A_37 = arith.constant 0 : i32
    %dma_wait3A_38 = tpu.memref_slice %arg4[%dma_wait3A_36, %dma_wait3A_37] : memref<1000x128xf32, #tpu.memory_space<hbm>> -> memref<1000x128xf32, #tpu.memory_space<hbm>>
    tpu.wait_indirect_dma semaphore(%arg16 : memref<!tpu.dma_semaphore, #tpu.memory_space<semaphore_mem>>) src(%dma_wait3A_38 : memref<1000x128xf32, #tpu.memory_space<hbm>>) dst(%arg10 : memref<128x128xf32, #tpu.memory_space<vmem>>)
    %dma_start3A_39 = arith.constant 1 : i32
    %dma_start3A_40 = arith.constant 0 : i32
    %dma_start3A_41 = tpu.memref_slice %arg5[%dma_start3A_39, %mul3A_2, %dma_start3A_40] : memref<3x4096x128xf32, #tpu.memory_space<hbm>> -> memref<1x128x128xf32, #tpu.memory_space<hbm>>
    %dma_start3A_42 = tpu.memref_squeeze %dma_start3A_41 : memref<1x128x128xf32, #tpu.memory_space<hbm>> -> memref<128x128xf32, #tpu.memory_space<hbm>>
    %dma_start3A_43 = arith.constant 0 : i32
    %dma_start3A_44 = tpu.memref_slice %arg5[%dma_start3A_39, %mul3A_2, %dma_start3A_43] : memref<3x4096x128xf32, #tpu.memory_space<hbm>> -> memref<1x128x128xf32, #tpu.memory_space<hbm>>
    %dma_start3A_45 = tpu.memref_squeeze %dma_start3A_44 : memref<1x128x128xf32, #tpu.memory_space<hbm>> -> memref<128x128xf32, #tpu.memory_space<hbm>>
    tpu.enqueue_dma source(%arg10 : memref<128x128xf32, #tpu.memory_space<vmem>>) target(%dma_start3A_45 : memref<128x128xf32, #tpu.memory_space<hbm>>) target_semaphore(%arg19 : memref<!tpu.dma_semaphore, #tpu.memory_space<semaphore_mem>>)
    %dma_wait3A_46 = arith.constant 0 : i32
    %dma_wait3A_47 = arith.constant 0 : i32
    %dma_wait3A_48 = tpu.memref_slice %arg3[%dma_wait3A_46, %dma_wait3A_47] : memref<100000x128xf32, #tpu.memory_space<hbm>> -> memref<100000x128xf32, #tpu.memory_space<hbm>>
    tpu.wait_indirect_dma semaphore(%arg17 : memref<!tpu.dma_semaphore, #tpu.memory_space<semaphore_mem>>) src(%dma_wait3A_48 : memref<100000x128xf32, #tpu.memory_space<hbm>>) dst(%arg11 : memref<128x128xf32, #tpu.memory_space<vmem>>)
    %dma_start3A_49 = arith.constant 2 : i32
    %dma_start3A_50 = arith.constant 0 : i32
    %dma_start3A_51 = tpu.memref_slice %arg5[%dma_start3A_49, %mul3A_2, %dma_start3A_50] : memref<3x4096x128xf32, #tpu.memory_space<hbm>> -> memref<1x128x128xf32, #tpu.memory_space<hbm>>
    %dma_start3A_52 = tpu.memref_squeeze %dma_start3A_51 : memref<1x128x128xf32, #tpu.memory_space<hbm>> -> memref<128x128xf32, #tpu.memory_space<hbm>>
    %dma_start3A_53 = arith.constant 0 : i32
    %dma_start3A_54 = tpu.memref_slice %arg5[%dma_start3A_49, %mul3A_2, %dma_start3A_53] : memref<3x4096x128xf32, #tpu.memory_space<hbm>> -> memref<1x128x128xf32, #tpu.memory_space<hbm>>
    %dma_start3A_55 = tpu.memref_squeeze %dma_start3A_54 : memref<1x128x128xf32, #tpu.memory_space<hbm>> -> memref<128x128xf32, #tpu.memory_space<hbm>>
    tpu.enqueue_dma source(%arg11 : memref<128x128xf32, #tpu.memory_space<vmem>>) target(%dma_start3A_55 : memref<128x128xf32, #tpu.memory_space<hbm>>) target_semaphore(%arg20 : memref<!tpu.dma_semaphore, #tpu.memory_space<semaphore_mem>>)
    %dma_wait3A_56 = arith.constant 0 : i32
    %dma_wait3A_57 = arith.constant 0 : i32
    %dma_wait3A_58 = tpu.memref_slice %arg5[%dma_wait3A_56, %mul3A_2, %dma_wait3A_57] : memref<3x4096x128xf32, #tpu.memory_space<hbm>> -> memref<1x128x128xf32, #tpu.memory_space<hbm>>
    %dma_wait3A_59 = tpu.memref_squeeze %dma_wait3A_58 : memref<1x128x128xf32, #tpu.memory_space<hbm>> -> memref<128x128xf32, #tpu.memory_space<hbm>>
    %dma_wait3A_60 = arith.constant 0 : i32
    %dma_wait3A_61 = tpu.memref_slice %arg5[%dma_wait3A_56, %mul3A_2, %dma_wait3A_60] : memref<3x4096x128xf32, #tpu.memory_space<hbm>> -> memref<1x128x128xf32, #tpu.memory_space<hbm>>
    %dma_wait3A_62 = tpu.memref_squeeze %dma_wait3A_61 : memref<1x128x128xf32, #tpu.memory_space<hbm>> -> memref<128x128xf32, #tpu.memory_space<hbm>>
    tpu.wait_dma2 semaphore(%arg18 : memref<!tpu.dma_semaphore, #tpu.memory_space<semaphore_mem>>) src(%arg9 : memref<128x128xf32, #tpu.memory_space<vmem>>) dst(%dma_wait3A_62 : memref<128x128xf32, #tpu.memory_space<hbm>>)
    %dma_wait3A_63 = arith.constant 1 : i32
    %dma_wait3A_64 = arith.constant 0 : i32
    %dma_wait3A_65 = tpu.memref_slice %arg5[%dma_wait3A_63, %mul3A_2, %dma_wait3A_64] : memref<3x4096x128xf32, #tpu.memory_space<hbm>> -> memref<1x128x128xf32, #tpu.memory_space<hbm>>
    %dma_wait3A_66 = tpu.memref_squeeze %dma_wait3A_65 : memref<1x128x128xf32, #tpu.memory_space<hbm>> -> memref<128x128xf32, #tpu.memory_space<hbm>>
    %dma_wait3A_67 = arith.constant 0 : i32
    %dma_wait3A_68 = tpu.memref_slice %arg5[%dma_wait3A_63, %mul3A_2, %dma_wait3A_67] : memref<3x4096x128xf32, #tpu.memory_space<hbm>> -> memref<1x128x128xf32, #tpu.memory_space<hbm>>
    %dma_wait3A_69 = tpu.memref_squeeze %dma_wait3A_68 : memref<1x128x128xf32, #tpu.memory_space<hbm>> -> memref<128x128xf32, #tpu.memory_space<hbm>>
    tpu.wait_dma2 semaphore(%arg19 : memref<!tpu.dma_semaphore, #tpu.memory_space<semaphore_mem>>) src(%arg10 : memref<128x128xf32, #tpu.memory_space<vmem>>) dst(%dma_wait3A_69 : memref<128x128xf32, #tpu.memory_space<hbm>>)
    %dma_wait3A_70 = arith.constant 2 : i32
    %dma_wait3A_71 = arith.constant 0 : i32
    %dma_wait3A_72 = tpu.memref_slice %arg5[%dma_wait3A_70, %mul3A_2, %dma_wait3A_71] : memref<3x4096x128xf32, #tpu.memory_space<hbm>> -> memref<1x128x128xf32, #tpu.memory_space<hbm>>
    %dma_wait3A_73 = tpu.memref_squeeze %dma_wait3A_72 : memref<1x128x128xf32, #tpu.memory_space<hbm>> -> memref<128x128xf32, #tpu.memory_space<hbm>>
    %dma_wait3A_74 = arith.constant 0 : i32
    %dma_wait3A_75 = tpu.memref_slice %arg5[%dma_wait3A_70, %mul3A_2, %dma_wait3A_74] : memref<3x4096x128xf32, #tpu.memory_space<hbm>> -> memref<1x128x128xf32, #tpu.memory_space<hbm>>
    %dma_wait3A_76 = tpu.memref_squeeze %dma_wait3A_75 : memref<1x128x128xf32, #tpu.memory_space<hbm>> -> memref<128x128xf32, #tpu.memory_space<hbm>>
    tpu.wait_dma2 semaphore(%arg20 : memref<!tpu.dma_semaphore, #tpu.memory_space<semaphore_mem>>) src(%arg11 : memref<128x128xf32, #tpu.memory_space<vmem>>) dst(%dma_wait3A_76 : memref<128x128xf32, #tpu.memory_space<hbm>>)
    return
  }
}

module attributes {stable_mosaic.version = 14 : i64} {
  func.func @mm_kernel(%arg0: i32, %arg1: memref<3x256x128xf32, #tpu.memory_space<vmem>>, %arg2: memref<2048x128xf32, #tpu.memory_space<vmem>>, %arg3: memref<1x2048xf32, #tpu.memory_space<vmem>>, %arg4: memref<256x3x2048xf32, #tpu.memory_space<vmem>>) attributes {dimension_semantics = [#tpu.dimension_semantics<arbitrary>], iteration_bounds = array<i64: 16>, scalar_prefetch = 0 : i64, scratch_operands = 0 : i64, tpu.core_type = #tpu.core_type<tc>, window_params = [{transform_indices = @transform_0, window_bounds = array<i64: 3, 256, 128>}, {pipeline_mode = #tpu.pipeline_mode<synchronous>, transform_indices = @transform_1, window_bounds = array<i64: 2048, 128>}, {pipeline_mode = #tpu.pipeline_mode<synchronous>, transform_indices = @transform_2, window_bounds = array<i64: 1, 2048>}, {transform_indices = @transform_3, window_bounds = array<i64: 256, 3, 2048>}]} {
    %get3A = arith.constant 0 : index
    %get3A_0 = arith.constant 0 : index
    %get3A_1 = vector.load %arg2[%get3A, %get3A_0] : memref<2048x128xf32, #tpu.memory_space<vmem>>, vector<2048x128xf32>
    %get3A_2 = arith.constant 0 : index
    %get3A_3 = arith.constant 0 : index
    %get3A_4 = vector.load %arg3[%get3A_2, %get3A_3] : memref<1x2048xf32, #tpu.memory_space<vmem>>, vector<1x2048xf32>
    %get3A_5 = arith.constant 0 : index
    %get3A_6 = arith.constant 0 : index
    %get3A_7 = arith.constant 0 : index
    %get3A_8 = vector.load %arg1[%get3A_5, %get3A_6, %get3A_7] : memref<3x256x128xf32, #tpu.memory_space<vmem>>, vector<1x256x128xf32>
    %get3A_9 = vector.shape_cast %get3A_8 : vector<1x256x128xf32> to vector<256x128xf32>
    %dot_general3A = arith.constant dense<0.000000e+00> : vector<256x2048xf32>
    %dot_general3A_10 = tpu.matmul %get3A_9, %get3A_1, %dot_general3A {dimension_numbers = #tpu.dot_dimension_numbers<[1], [1], [0], [0], [0, 0, 1, 0], [], []>, transpose_lhs_hint = false} : vector<256x128xf32>, vector<2048x128xf32>, vector<256x2048xf32> -> vector<256x2048xf32>
    %add3A = vector.broadcast %get3A_4 : vector<1x2048xf32> to vector<256x2048xf32>
    %add3A_11 = arith.addf %dot_general3A_10, %add3A : vector<256x2048xf32>
    %swap3A = arith.constant 0 : index
    %swap3A_12 = arith.constant 0 : index
    %swap3A_13 = arith.constant 0 : index
    %swap3A_14 = vector.load %arg4[%swap3A, %swap3A_12, %swap3A_13] : memref<256x3x2048xf32, #tpu.memory_space<vmem>>, vector<256x1x2048xf32>
    %swap3A_15 = vector.shape_cast %swap3A_14 : vector<256x1x2048xf32> to vector<256x2048xf32>
    %swap3A_16 = vector.shape_cast %add3A_11 : vector<256x2048xf32> to vector<256x1x2048xf32>
    tpu.vector_store %arg4[%swap3A, %swap3A_12, %swap3A_13], %swap3A_16 {strides = array<i32>} : memref<256x3x2048xf32, #tpu.memory_space<vmem>>, vector<256x1x2048xf32>,
    %get3A_17 = arith.constant 1 : index
    %get3A_18 = arith.constant 0 : index
    %get3A_19 = arith.constant 0 : index
    %get3A_20 = vector.load %arg1[%get3A_17, %get3A_18, %get3A_19] : memref<3x256x128xf32, #tpu.memory_space<vmem>>, vector<1x256x128xf32>
    %get3A_21 = vector.shape_cast %get3A_20 : vector<1x256x128xf32> to vector<256x128xf32>
    %dot_general3A_22 = arith.constant dense<0.000000e+00> : vector<256x2048xf32>
    %dot_general3A_23 = tpu.matmul %get3A_21, %get3A_1, %dot_general3A_22 {dimension_numbers = #tpu.dot_dimension_numbers<[1], [1], [0], [0], [0, 0, 1, 0], [], []>, transpose_lhs_hint = false} : vector<256x128xf32>, vector<2048x128xf32>, vector<256x2048xf32> -> vector<256x2048xf32>
    %add3A_24 = vector.broadcast %get3A_4 : vector<1x2048xf32> to vector<256x2048xf32>
    %add3A_25 = arith.addf %dot_general3A_23, %add3A_24 : vector<256x2048xf32>
    %swap3A_26 = arith.constant 0 : index
    %swap3A_27 = arith.constant 1 : index
    %swap3A_28 = arith.constant 0 : index
    %swap3A_29 = vector.load %arg4[%swap3A_26, %swap3A_27, %swap3A_28] : memref<256x3x2048xf32, #tpu.memory_space<vmem>>, vector<256x1x2048xf32>
    %swap3A_30 = vector.shape_cast %swap3A_29 : vector<256x1x2048xf32> to vector<256x2048xf32>
    %swap3A_31 = vector.shape_cast %add3A_25 : vector<256x2048xf32> to vector<256x1x2048xf32>
    tpu.vector_store %arg4[%swap3A_26, %swap3A_27, %swap3A_28], %swap3A_31 {strides = array<i32>} : memref<256x3x2048xf32, #tpu.memory_space<vmem>>, vector<256x1x2048xf32>,
    %get3A_32 = arith.constant 2 : index
    %get3A_33 = arith.constant 0 : index
    %get3A_34 = arith.constant 0 : index
    %get3A_35 = vector.load %arg1[%get3A_32, %get3A_33, %get3A_34] : memref<3x256x128xf32, #tpu.memory_space<vmem>>, vector<1x256x128xf32>
    %get3A_36 = vector.shape_cast %get3A_35 : vector<1x256x128xf32> to vector<256x128xf32>
    %dot_general3A_37 = arith.constant dense<0.000000e+00> : vector<256x2048xf32>
    %dot_general3A_38 = tpu.matmul %get3A_36, %get3A_1, %dot_general3A_37 {dimension_numbers = #tpu.dot_dimension_numbers<[1], [1], [0], [0], [0, 0, 1, 0], [], []>, transpose_lhs_hint = false} : vector<256x128xf32>, vector<2048x128xf32>, vector<256x2048xf32> -> vector<256x2048xf32>
    %add3A_39 = vector.broadcast %get3A_4 : vector<1x2048xf32> to vector<256x2048xf32>
    %add3A_40 = arith.addf %dot_general3A_38, %add3A_39 : vector<256x2048xf32>
    %swap3A_41 = arith.constant 0 : index
    %swap3A_42 = arith.constant 2 : index
    %swap3A_43 = arith.constant 0 : index
    %swap3A_44 = vector.load %arg4[%swap3A_41, %swap3A_42, %swap3A_43] : memref<256x3x2048xf32, #tpu.memory_space<vmem>>, vector<256x1x2048xf32>
    %swap3A_45 = vector.shape_cast %swap3A_44 : vector<256x1x2048xf32> to vector<256x2048xf32>
    %swap3A_46 = vector.shape_cast %add3A_40 : vector<256x2048xf32> to vector<256x1x2048xf32>
    tpu.vector_store %arg4[%swap3A_41, %swap3A_42, %swap3A_43], %swap3A_46 {strides = array<i32>} : memref<256x3x2048xf32, #tpu.memory_space<vmem>>, vector<256x1x2048xf32>,
    return
  }
  func.func @transform_0(%arg0: i32) -> (i32, i32, i32) {
    %c0_i32 = arith.constant 0 : i32
    %c0_i32_0 = arith.constant 0 : i32
    %c0_i32_1 = arith.constant 0 : i32
    return %c0_i32, %arg0, %c0_i32_0 : i32, i32, i32
  }
  func.func @transform_1(%arg0: i32) -> (i32, i32) {
    %c0_i32 = arith.constant 0 : i32
    %c0_i32_0 = arith.constant 0 : i32
    %c0_i32_1 = arith.constant 0 : i32
    return %c0_i32, %c0_i32_0 : i32, i32
  }
  func.func @transform_2(%arg0: i32) -> (i32, i32) {
    %c0_i32 = arith.constant 0 : i32
    %c0_i32_0 = arith.constant 0 : i32
    %c0_i32_1 = arith.constant 0 : i32
    return %c0_i32, %c0_i32_0 : i32, i32
  }
  func.func @transform_3(%arg0: i32) -> (i32, i32, i32) {
    %c0_i32 = arith.constant 0 : i32
    %c0_i32_0 = arith.constant 0 : i32
    %c0_i32_1 = arith.constant 0 : i32
    return %arg0, %c0_i32, %c0_i32_0 : i32, i32, i32
  }
}

</mosaic_0001>

<sc_bundles>
// kernel: kernel.4.cloned.1.call-start
scs
__scs_entry_jumppad:
0x0: {  	(pc) =	sbr.rel $0x88, $3  }
0x1: {  	(tag) =	ssettag $0x0;
	lr =	simm.s32 $0x1  }
0x2: {  	[smem:$0x3F9C] =	sst lr;
	_ =	strace $0xD0000000  }
0x3: {  	_ = 	snop  }
0x4: {  	_ = 	snop  }
0x5: {  	_ = 	snop  }
0x6: {  	_ = 	snop  }
0x7: {  	_ = 	snop  }
__scs_overlays_trampoline_lowered:
0x8: {  	[smem:$0x3FAB] =	sst s0  }
0x9: {  	[smem:$0x3FAC] =	sst s1  }
0xa: {  	[smem:$0x3FAD] =	sst s2  }
0xb: {  	[smem:$0x3FAE] =	sst s3  }
0xc: {  	[smem:$0x3FAF] =	sst s4  }
0xd: {  	[smem:$0x3FB0] =	sst s5  }
0xe: {  	[smem:$0x3FB1] =	sst s6  }
0xf: {  	[smem:$0x3FB2] =	sst s7  }
0x10: {  	[smem:$0x3FB3] =	sst s8  }
0x11: {  	[smem:$0x3FB4] =	sst s9;
	s0 =	simm.s32 @!p0 $0x0  }
0x12: {  	s1 =	sld [smem:$0x3F9A];
	s0 =	simm.s32 @p0 $0x1  }
0x13: {  	[smem:$0x3FB5] =	sst s0;
	s0 =	simm.s32 @!p1 $0x0  }
0x14: {  	s2 =	sld [smem:$0x3F99];
	s0 =	simm.s32 @p1 $0x1  }
0x15: {  	[smem:$0x3FB6] =	sst s0;
	s0 =	simm.s32 @!p2 $0x0  }
0x16: {  	s3 =	sld [smem:$0x3FDB];
	s0 =	simm.s32 @p2 $0x1  }
0x17: {  	s4 =	simm.s32 $0x1BF5;
	[smem:$0x3FB8] =	sst s0  }
0x18: {  	s0 =	sld [smem:$0x3F9B];
	_ =	swait.ge [sflag:s4], $0x0  }
0x19: {  	s7 =	sld [smem:$0x3F9C]  }
0x1a: {  	s8 =	sadd.s32 $0xFFFFE003, lr  }
0x1b: {  	s9 =	sadd.s32 $0xFFFFFEF7, lr;
	s5 =	simm.s32 $0xFFFFFFFF;
	p2 =	slt.u32 s8, $0xFFFFF086  }
0x1c: {  	p1 =	slt.u32 s9, $0xF7A;
	s5 =	simm.s32 @!p2 $0x0  }
0x1d: {  	s5 =	simm.s32 @p1 $0x1;
	p0 =	seq.s32 s7, s2  }
0x1e: {  	s7 =	smul.u32 @!p0 $0xF7A, s2;
	p2 =	seq.s32 @!p0 s5, $0x0  }
0x1f: {  	s9 =	smul.u32 $0xF7A, s1;
	s8 =	simm.s32 @!p0 $0x1BF5;
	p2 =	por !p2, p0  }
0x20: {  	[sflag:s8] =	ssyncset.s32 @!p0 $0xFFFFF086;
	s6 =	sadd.s32 @!p0 s3, s7;
	s7 =	simm.s32 @!p0 $0x108  }
0x21: {  	s3 =	sadd.s32 s3, s9;
	s6 =	sadd.s32 @!p0 $0x88, s6;
	s7 =	simm.s32 @p2 $0x1082  }
0x22: {  	[simem:s7], [sflag:s8] =	dma.local @!p0 [hbm:s6], $0xF7A  }
0x23: {  	s9 =	sor.u32 $0xD0000000, s2;
	s6 =	simm.s32 $0x108;
	_ =	swait.ge @!p0 [sflag:s8], $0x0  }
0x24: {  	s3 =	sadd.s32 $0x88, s3;
	s6 =	simm.s32 @!p1 $0x1082;
	[sflag:s4] =	ssyncset.s32 $0xFFFFF086  }
0x25: {  	[simem:s6], [sflag:s4] =	dma.local [hbm:s3], $0xF7A  }
0x26: {  	[smem:$0x3F9C] =	sst s1;
	(tag) =	ssettag s2;
	_ =	strace s9  }
0x27: {  	s1 =	sld [smem:$0x3FAC]  }
0x28: {  	s2 =	sld [smem:$0x3FAD]  }
0x29: {  	s4 =	sld [smem:$0x3FAF]  }
0x2a: {  	p0 =	seq.s32 s5, $0x0;
	s5 =	sld [smem:$0x3FB0]  }
0x2b: {  	s6 =	sld [smem:$0x3FB1]  }
0x2c: {  	s7 =	sld [smem:$0x3FB2]  }
0x2d: {  	s3 =	simm.s32 $0x108;
	s8 =	sld [smem:$0x3FB3]  }
0x2e: {  	s3 =	simm.s32 @!p0 $0x1082;
	s9 =	sld [smem:$0x3FB4]  }
0x2f: {  	lr =	sadd.s32 s0, s3;
	s0 =	sld [smem:$0x3FAB]  }
0x30: {  	s3 =	sld [smem:$0x3FAE]  }
0x31: {  	[smem:$0x3FB7] =	sst s10  }
0x32: {  	s10 =	sld [smem:$0x3FB5];
	_ =	sdelay $0x3  }
0x33: {  	p0 =	seq.s32 s10, $0x1;
	s10 =	sld [smem:$0x3FB7];
	_ =	sdelay $0x3  }
0x34: {  	[smem:$0x3FB7] =	sst s10  }
0x35: {  	s10 =	sld [smem:$0x3FB6];
	_ =	sdelay $0x3  }
0x36: {  	p1 =	seq.s32 s10, $0x1;
	s10 =	sld [smem:$0x3FB7];
	_ =	sdelay $0x3  }
0x37: {  	[smem:$0x3FB7] =	sst s10  }
0x38: {  	s10 =	sld [smem:$0x3FB8]  }
0x39: {  	_ = 	snop;
	(pc) =	sbr.ind lr, $3  }
0x3a: {  	_ = 	snop  }
0x3b: {  	_ = 	snop  }
0x3c: {  	p2 =	seq.s32 s10, $0x1;
	s10 =	sld [smem:$0x3FB7]  }
0x3d: {  	_ =	shalt  }
0x3e: {  	_ =	shalt  }
0x3f: {  	_ =	shalt  }
0x40: {  	_ =	shalt  }
0x41: {  	_ =	shalt  }
0x42: {  	_ =	shalt  }
0x43: {  	_ =	shalt  }
0x44: {  	_ =	shalt  }
0x45: {  	_ =	shalt  }
0x46: {  	_ =	shalt  }
0x47: {  	_ =	shalt  }
0x48: {  	_ =	shalt  }
0x49: {  	_ =	shalt  }
0x4a: {  	_ =	shalt  }
0x4b: {  	_ =	shalt  }
0x4c: {  	_ =	shalt  }
0x4d: {  	_ =	shalt  }
0x4e: {  	_ =	shalt  }
0x4f: {  	_ =	shalt  }
0x50: {  	_ =	shalt  }
0x51: {  	_ =	shalt  }
0x52: {  	_ =	shalt  }
0x53: {  	_ =	shalt  }
0x54: {  	_ =	shalt  }
0x55: {  	_ =	shalt  }
0x56: {  	_ =	shalt  }
0x57: {  	_ =	shalt  }
0x58: {  	_ =	shalt  }
0x59: {  	_ =	shalt  }
0x5a: {  	_ =	shalt  }
0x5b: {  	_ =	shalt  }
0x5c: {  	_ =	shalt  }
0x5d: {  	_ =	shalt  }
0x5e: {  	_ =	shalt  }
0x5f: {  	_ =	shalt  }
0x60: {  	_ =	shalt  }
0x61: {  	_ =	shalt  }
0x62: {  	_ =	shalt  }
0x63: {  	_ =	shalt  }
0x64: {  	_ =	shalt  }
0x65: {  	_ =	shalt  }
0x66: {  	_ =	shalt  }
0x67: {  	_ =	shalt  }
0x68: {  	_ =	shalt  }
0x69: {  	_ =	shalt  }
0x6a: {  	_ =	shalt  }
0x6b: {  	_ =	shalt  }
0x6c: {  	_ =	shalt  }
0x6d: {  	_ =	shalt  }
0x6e: {  	_ =	shalt  }
0x6f: {  	_ =	shalt  }
0x70: {  	_ =	shalt  }
0x71: {  	_ =	shalt  }
0x72: {  	_ =	shalt  }
0x73: {  	_ =	shalt  }
0x74: {  	_ =	shalt  }
0x75: {  	_ =	shalt  }
0x76: {  	_ =	shalt  }
0x77: {  	_ =	shalt  }
0x78: {  	_ =	shalt  }
0x79: {  	_ =	shalt  }
0x7a: {  	_ =	shalt  }
0x7b: {  	_ =	shalt  }
0x7c: {  	_ =	shalt  }
0x7d: {  	_ =	shalt  }
0x7e: {  	_ =	shalt  }
0x7f: {  	_ =	shalt  }
0x80: {  	_ =	shalt  }
0x81: {  	_ =	shalt  }
0x82: {  	_ =	shalt  }
0x83: {  	_ =	shalt  }
0x84: {  	_ =	shalt  }
0x85: {  	_ =	shalt  }
0x86: {  	_ =	shalt  }
0x87: {  	_ =	shalt  }
.Lfunc_end0:
.L_simem_size_0:
called_computation_lowered:
.L_overlay_start_0:
0x88: {  	s2 =	sld [smem:$0x3FD9]  }
0x89: {  	s3 =	sld [smem:$0x3FFE];
	_ =	sdelay $0x1  }
0x8a: {  	s1 =	srdreg.scid  }
0x8b: {  	s0 =	sand.u32 $0x1, s1  }
0x8c: {  	s17 =	sshll.u32 s0, $0xA;
	s2 =	sadd.s32 s3, s2  }
0x8d: {  	s2 =	sadd.s32 s2, s17  }
0x8e: {  	[smem:$0x3FC3] =	sst s2  }
0x8f: {  	_ = 	snop  }
0x90: {  	s2 =	sld [smem:$0x3FC8]  }
0x91: {  	s18 =	sld [smem:$0x3FC7]  }
0x92: {  	s4 =	sld [smem:$0x3FD0];
	(tm) =	ssettm $0x1  }
0x93: {  	s5 =	sld [smem:$0x3FFB];
	_ =	sdelay $0x3  }
0x94: {  	_ =	strace s5  }
0x95: {  	s5 =	sld [smem:$0x3FFC];
	_ =	sdelay $0x3  }
0x96: {  	_ =	strace s5  }
0x97: {  	s5 =	sld [smem:$0x3FFD];
	_ =	sdelay $0x3  }
0x98: {  	_ =	strace s5  }
0x99: {  	_ =	strace $0x8FFFFFFF  }
0x9a: {  	s19 =	sld [smem:$0x3FDB];
	_ =	sdelay $0x1  }
0x9b: {  	s6 =	simm.s32 $_scs_section_size  }
0x9c: {  	s7 =	simm.s32 $_size__tile_overlayer_lowered;
	s8 =	simm.s32 $_tile_overlayer_lowered  }
0x9d: {  	s22 =	simm.s32 $0x1BFF;
	s21 =	sshll.u32 s8, $0x1;
	s5 =	sadd.s32 s6, s19  }
0x9e: {  	s9 =	simm.s32 $0x0;
	s20 =	sshll.u32 s7, $0x1;
	s7 =	sadd.s32 s21, s5  }
0x9f: {  	[timem:s9], [sflag:s22] =	dma.local [hbm:s7], s20  }
0xa0: {  	_ =	swait.ge [sflag:s22], s20  }
0xa1: {  	s6 =	ssub.s32 $0x0, s20;
	[sflag:s22] =	ssyncset.done $0x0  }
0xa2: {  	[sflag:s22] =	ssyncadd.s32 s6;
	_ =	sdelay $0x1  }
0xa3: {  	s23 =	simm.s32 $0x1B8B  }
0xa4: {  	_ =	swait.ge [sflag:s23], $0x1  }
0xa5: {  	[sflag:s23] =	ssyncset.done $0x0  }
0xa6: {  	s25 =	simm.s32 $0x1B8E;
	s24 =	sld [smem:$0x3FFE];
	[sflag:s23] =	ssyncadd.s32 $0xFFFFFFFF  }
0xa7: {  	s26 =	simm.s32 $execute0_lowered;
	[smem:$0x3FD2] =	sst s25  }
0xa8: {  	s7 =	sshll.u32 s26, $0x1;
	_ =	strace $0x80000046;
	[dreg:$0x1] =	wrdreg $0xFFFFFFFF  }
0xa9: {  	s28 =	simm.s32 $_size_execute0_lowered;
	s5 =	sadd.s32 s5, s7;
	[dreg:$0x0] =	wrdreg $0x0  }
0xaa: {  	s7 =	sshll.u32 s28, $0x1;
	[dreg:$0x2] =	wrdreg s5  }
0xab: {  	[dreg:$0x3] =	wrdreg s7  }
0xac: {  	[dreg:$0x4] =	wrdreg $0xC0  }
0xad: {  	_ =	task [dreg:s9], $0x5FFFF  }
0xae: {  	[dreg:$0x1] =	wrdreg $0xFFFFFFFF  }
0xaf: {  	[dreg:$0x0] =	wrdreg $0x60  }
0xb0: {  	[dreg:$0x2] =	wrdreg s24  }
0xb1: {  	[dreg:$0x3] =	wrdreg s2  }
0xb2: {  	[dreg:$0x4] =	wrdreg s18  }
0xb3: {  	[dreg:$0x5] =	wrdreg s4  }
0xb4: {  	[dreg:$0x6] =	wrdreg $0x9  }
0xb5: {  	_ =	task.clear_ibuf [dreg:s9], $0x7FFFF;
	_ =	strace $0x90000046  }
0xb6: {  	s29 =	simm.s32 $0x9;
	_ =	strace $0x80000048  }
0xb7: {  	_ =	swait.ge [sflag:s29], $0x1  }
0xb8: {  	[sflag:s29] =	ssyncadd.s32 $0xFFFFFFFF  }
0xb9: {  	_ =	strace $0x90000048  }
0xba: {  	_ =	sfence  }
0xbb: {  	s30 =	sld [smem:$0x0];
	_ =	sdelay $0x2  }
0xbc: {  	s31 =	sshll.u32 s1, $0xD;
	s1 =	sshrl.u32 s1, $0x2  }
0xbd: {  	s3 =	sand.u32 $0x4000, s31;
	s1 =	sadd.s32 s1, s30  }
0xbe: {  	s0 =	sor.u32 s3, s0;
	s1 =	sshll.u32 s1, $0x11  }
0xbf: {  	s0 =	sor.u32 s1, s0  }
0xc0: {  	s0 =	sadd.s32 $0x8F2B, s0  }
0xc1: {  	[sflag:s0] =	ssyncadd.remote.s32 $0x1  }
0xc2: {  	_ =	sfence.sel $0xFFFF  }
0xc3: {  	[dreg:$0x0] =	wrdreg $0xFFFFFFFF;
	(pc) =	sbr.abs _section_cstart, $3  }
0xc4: {  	[dreg:$0x1] =	wrdreg $0xFFFFFFFF  }
0xc5: {  	_ =	task.clear_ibuf [dreg:s9], $0x2FFFF;
	_ =	strace $0x9FFFFFFF  }
0xc6: {  	(tm) =	ssettm $0x7FFFFFFF  }
0xc7: {  	_ =	shalt  }
tec
execute0_lowered:
.L_overlay_start_1:
0x0: {  	(tag) =	ssettag $0x1  }
0x1: {  	s2 =	srdreg.scid  }
0x2: {  	s5 =	rddreg [dreg:$0x0];
	s0 =	stileid.u32;
	s23 =	sand.u32 $0x1, s2  }
0x3: {  	s1 =	rddreg [dreg:$0x1];
	s31 =	sshll.u32 s0, $0x8;
	s4 =	sshll.u32 s23, $0x7  }
0x4: {  	s3 =	rddreg [dreg:$0x2];
	s18 =	sor.u32 s4, s31  }
0x5: {  	s17 =	rddreg [dreg:$0x3];
	s4 =	simm.s32 $0x0;
	s6 =	sshrl.u32 s18, $0x3  }
0x6: {  	[smem:$0x7FF] =	sst s4;
	s8 =	sadd.s32 s6, s5  }
0x7: {  	s2 =	rddreg [dreg:$0x4];
	_ =	strace $0x80000047;
	s5 =	sadd.s32 $0xA00, s8  }
0x8: {  	[tilespmem:s4], [sflag:$0x1] =	stream.linear.gather [hbm4b:s5+s4], $0x80, $0x38;
	[tilespmem:$0xC180] =	vst v63  }
0x9: {  	s7 =	simm.s32 $0x80;
	s6 =	sadd.s32 $0xC00, s8  }
0xa: {  	[tilespmem:s7], [sflag:$0x2] =	stream.linear.gather [hbm4b:s6+s4], $0x80, $0x38;
	[tilespmem:$0xC180] =	vst v63  }
0xb: {  	s9 =	simm.s32 $0x100;
	s10 =	simm.s32 $0x1;
	s8 =	sadd.s32 $0xE00, s8  }
0xc: {  	[tilespmem:s9], [sflag:$0x3] =	stream.linear.gather [hbm4b:s8+s4], $0x80, $0x38;
	[tilespmem:$0xC180] =	vst v63  }
0xd: {  	_ =	swait.ge [sflag:s10], $0x80  }
0xe: {  	[sflag:s10] =	ssyncset.done $0x0  }
0xf: {  	s11 =	simm.s32 $0x180;
	s12 =	simm.s32 $0x2;
	[sflag:s10] =	ssyncadd.s32 $0xFFFFFF80  }
0x10: {  	[tilespmem:s11], [sflag:$0x4] =	stream.indirect.gather [hbm4b:s1+s7], $0x80, s4, s7, $0xb8;
	[tilespmem:$0xC180] =	vst v63  }
0x11: {  	_ =	swait.ge [sflag:s12], $0x80  }
0x12: {  	[sflag:s12] =	ssyncset.done $0x0  }
0x13: {  	s13 =	simm.s32 $0x4180;
	s14 =	simm.s32 $0x3;
	[sflag:s12] =	ssyncadd.s32 $0xFFFFFF80  }
0x14: {  	[tilespmem:s13], [sflag:$0x5] =	stream.indirect.gather [hbm4b:s3+s7], $0x80, s7, s7, $0xb8;
	[tilespmem:$0xC180] =	vst v63  }
0x15: {  	_ =	swait.ge [sflag:s14], $0x80  }
0x16: {  	[sflag:s14] =	ssyncset.done $0x0  }
0x17: {  	s15 =	simm.s32 $0x8180;
	s16 =	simm.s32 $0x4;
	[sflag:s14] =	ssyncadd.s32 $0xFFFFFF80  }
0x18: {  	[tilespmem:s15], [sflag:$0x6] =	stream.indirect.gather [hbm4b:s1+s7], $0x80, s9, s7, $0xb8;
	[tilespmem:$0xC180] =	vst v63  }
0x19: {  	_ =	swait.ge [sflag:s16], $0x4000  }
0x1a: {  	s18 =	sshll.u32 s18, $0x4;
	[sflag:s16] =	ssyncset.done $0x0  }
0x1b: {  	s17 =	sadd.s32 s17, s18;
	s18 =	simm.s32 $0x5;
	[sflag:s16] =	ssyncadd.s32 $0xFFFFC000  }
0x1c: {  	[hbm4b:s17+s4] =	stream.linear.scatter [tilespmem:s11], [sflag:$0x7], $0x4000, $0x38;
	[tilespmem:$0xC180] =	vst v63  }
0x1d: {  	_ =	swait.ge [sflag:s18], $0x4000  }
0x1e: {  	[sflag:s18] =	ssyncset.done $0x0  }
0x1f: {  	s20 =	simm.s32 $0x6;
	s19 =	sadd.s32 $0x10000, s17;
	[sflag:s18] =	ssyncadd.s32 $0xFFFFC000  }
0x20: {  	[hbm4b:s19+s4] =	stream.linear.scatter [tilespmem:s13], [sflag:$0x8], $0x4000, $0x38;
	[tilespmem:$0xC180] =	vst v63  }
0x21: {  	_ =	swait.ge [sflag:s20], $0x4000  }
0x22: {  	s22 =	simm.s32 $0x7;
	s24 =	ssub.s32 $0x2, s23;
	[sflag:s20] =	ssyncset.done $0x0  }
0x23: {  	s25 =	sshrl.u32 s24, $0x1;
	s21 =	sadd.s32 $0x20000, s17;
	[sflag:s20] =	ssyncadd.s32 $0xFFFFC000  }
0x24: {  	[hbm4b:s21+s4] =	stream.linear.scatter [tilespmem:s15], [sflag:$0x9], $0x4000, $0x38;
	[tilespmem:$0xC180] =	vst v63  }
0x25: {  	s24 =	ssub.s32 s24, s25;
	_ =	swait.ge [sflag:s22], $0x4000  }
0x26: {  	s25 =	smax.u32 s24, $0x1;
	[sflag:s22] =	ssyncset.done $0x0  }
0x27: {  	s23 =	simm.s32 $0x8;
	p0 =	sne.s32 s25, $0x1;
	[sflag:s22] =	ssyncadd.s32 $0xFFFFC000  }
.Ltmp0:
0x28: {  	_ =	swait.ge [sflag:s23], $0x4000;
	(pc) =	sbr.rel @!p0 .LBB2_2-.Ltmp0, $4  }
0x29: {  	[sflag:s23] =	ssyncset.done $0x0  }
0x2a: {  	s24 =	simm.s32 $0x9;
	[sflag:s23] =	ssyncadd.s32 $0xFFFFC000  }
0x2b: {  	_ =	swait.ge [sflag:s24], $0x4000  }
0x2c: {  	s25 =	sadd.s32 $0xFFFFFFFF, s25;
	[sflag:s24] =	ssyncset.done $0x0  }
.LBB2_1:
0x2d: {  	p0 =	sne.s32 s25, $0x1;
	s25 =	sadd.s32 $0xFFFFFFFF, s25;
	[sflag:s24] =	ssyncadd.s32 $0xFFFFC000  }
0x2e: {  	[tilespmem:s4], [sflag:$0x1] =	stream.linear.gather [hbm4b:s5+s4], $0x80, $0x38;
	[tilespmem:$0xC180] =	vst v63  }
0x2f: {  	_ = 	snop  }
0x30: {  	[tilespmem:s7], [sflag:$0x2] =	stream.linear.gather [hbm4b:s6+s4], $0x80, $0x38;
	[tilespmem:$0xC180] =	vst v63  }
0x31: {  	_ = 	snop  }
0x32: {  	[tilespmem:s9], [sflag:$0x3] =	stream.linear.gather [hbm4b:s8+s4], $0x80, $0x38;
	[tilespmem:$0xC180] =	vst v63  }
0x33: {  	_ =	swait.ge [sflag:s10], $0x80  }
0x34: {  	[sflag:s10] =	ssyncset.done $0x0  }
0x35: {  	[sflag:s10] =	ssyncadd.s32 $0xFFFFFF80  }
0x36: {  	[tilespmem:s11], [sflag:$0x4] =	stream.indirect.gather [hbm4b:s1+s7], $0x80, s4, s7, $0xb8;
	[tilespmem:$0xC180] =	vst v63  }
0x37: {  	_ =	swait.ge [sflag:s12], $0x80  }
0x38: {  	[sflag:s12] =	ssyncset.done $0x0  }
0x39: {  	[sflag:s12] =	ssyncadd.s32 $0xFFFFFF80  }
0x3a: {  	[tilespmem:s13], [sflag:$0x5] =	stream.indirect.gather [hbm4b:s3+s7], $0x80, s7, s7, $0xb8;
	[tilespmem:$0xC180] =	vst v63  }
0x3b: {  	_ =	swait.ge [sflag:s14], $0x80  }
0x3c: {  	[sflag:s14] =	ssyncset.done $0x0  }
0x3d: {  	[sflag:s14] =	ssyncadd.s32 $0xFFFFFF80  }
0x3e: {  	[tilespmem:s15], [sflag:$0x6] =	stream.indirect.gather [hbm4b:s1+s7], $0x80, s9, s7, $0xb8;
	[tilespmem:$0xC180] =	vst v63  }
0x3f: {  	_ =	swait.ge [sflag:s16], $0x4000  }
0x40: {  	[sflag:s16] =	ssyncset.done $0x0  }
0x41: {  	[sflag:s16] =	ssyncadd.s32 $0xFFFFC000  }
0x42: {  	[hbm4b:s17+s4] =	stream.linear.scatter [tilespmem:s11], [sflag:$0x7], $0x4000, $0x38;
	[tilespmem:$0xC180] =	vst v63  }
0x43: {  	_ =	swait.ge [sflag:s18], $0x4000  }
0x44: {  	[sflag:s18] =	ssyncset.done $0x0  }
0x45: {  	[sflag:s18] =	ssyncadd.s32 $0xFFFFC000  }
0x46: {  	[hbm4b:s19+s4] =	stream.linear.scatter [tilespmem:s13], [sflag:$0x8], $0x4000, $0x38;
	[tilespmem:$0xC180] =	vst v63  }
0x47: {  	_ =	swait.ge [sflag:s20], $0x4000  }
0x48: {  	[sflag:s20] =	ssyncset.done $0x0  }
0x49: {  	[sflag:s20] =	ssyncadd.s32 $0xFFFFC000  }
0x4a: {  	[hbm4b:s21+s4] =	stream.linear.scatter [tilespmem:s15], [sflag:$0x9], $0x4000, $0x38;
	[tilespmem:$0xC180] =	vst v63  }
0x4b: {  	_ =	swait.ge [sflag:s22], $0x4000  }
0x4c: {  	[sflag:s22] =	ssyncset.done $0x0  }
0x4d: {  	[sflag:s22] =	ssyncadd.s32 $0xFFFFC000  }
.Ltmp1:
0x4e: {  	_ =	swait.ge [sflag:s23], $0x4000;
	(pc) =	sbr.rel @p0 .LBB2_1-.Ltmp1, $4  }
0x4f: {  	[sflag:s23] =	ssyncset.done $0x0  }
0x50: {  	[sflag:s23] =	ssyncadd.s32 $0xFFFFC000  }
0x51: {  	_ =	swait.ge [sflag:s24], $0x4000  }
0x52: {  	[sflag:s24] =	ssyncset.done $0x0  }
.LBB2_2:
0x53: {  	[sflag:s24] =	ssyncadd.s32 $0xFFFFC000  }
0x54: {  	_ =	sfence.sel $0x180000  }
0x55: {  	[bflag:$0x0] =	sbarrier.arrive $0xFFFF  }
0x56: {  	p0 =	sne.s32 s0, $0x0;
	_ =	strace $0x90000047  }
0x57: {  	s0 =	sadd.s32 @!p0 $0x100000, s2;
	[bflag:$0x2] =	sbarrier.arrive $0xFFFF  }
0x58: {  	[sflag:s0] =	ssyncadd.tile.s32 @!p0 $0x1;
	_ =	shalt  }
.Lfunc_end2:
_tile_overlayer_lowered:
.L_overlay_start_2:
0x59: {  	(tag) =	ssettag $0x2  }
0x5a: {  	s0 =	rddreg [dreg:$0x0];
	s2 =	stileid.u32  }
0x5b: {  	s1 =	rddreg [dreg:$0x1];
	p0 =	sne.s32 s2, $0x0  }
0x5c: {  	s3 =	rddreg [dreg:$0x2];
	[bflag:$0x3] =	sbarrier.arrive $0xFFFF;
	s2 =	simm.s32 @!p0 $0x1C0A  }
0x5d: {  	[timem:s3], [sflag:s2] =	dma.local @!p0 [hbm:s0], s1  }
0x5e: {  	s0 =	simm.s32 @!p0 $0xA  }
0x5f: {  	_ =	swait.ge @!p0 [sflag:s0], s1  }
0x60: {  	s1 =	ssub.s32 @!p0 $0x0, s1;
	[sflag:s0] =	ssyncset.done @!p0 $0x0  }
0x61: {  	[sflag:s0] =	ssyncadd.s32 @!p0 s1  }
0x62: {  	[bflag:$0x3] =	sbarrier.arrive $0xFFFF  }
0x63: {  	_ =	shalt  }

</sc_bundles>
